<compile_context>
chip_gen: v7x
topology: tpu7x:2x2x1
jax: 0.10.2.dev20260603
libtpu: 0.0.44.dev20260713+nightly
codegen_flags: <defaults>
</compile_context>

<pallas_src>
import functools

import jax
import jax.numpy as jnp
from jax import lax
from jax.experimental import pallas as pl
from jax.experimental.pallas import tpu as pltpu
from jax.experimental.pallas import tpu_sc as plsc

N = 100000
Z = 100000
S = 4
U = 32
D = 3
F = S * U
B = 400
NBLK = N // B
NW = 32
PAIRS = 4
BT = 4000


def _sc_body(x0_hbm, i0_hbm, gfwd_hbm,
             idx0, idx1, g0, g1,
             si0, si1, sg0, sg1, so0, so1):
    wid = lax.axis_index("s") * 2 + lax.axis_index("c")
    idx = (idx0, idx1)
    gg = (g0, g1)
    si = (si0, si1)
    sg = (sg0, sg1)
    so = (so0, so1)

    def fire_idx(t, p):
        blk = wid + t * NW

        @pl.when(blk < NBLK)
        def _():
            pltpu.async_copy(i0_hbm.at[pl.ds(blk * B, B)], idx[p], si[p])

    def wait_idx(t, p):
        blk = wid + t * NW

        @pl.when(blk < NBLK)
        def _():
            pltpu.make_async_copy(i0_hbm.at[pl.ds(blk * B, B)], idx[p],
                                  si[p]).wait()

    def fire_gather(t, b):
        blk = wid + t * NW

        @pl.when(blk < NBLK)
        def _():
            pltpu.async_copy(x0_hbm.at[idx[b]], gg[b], sg[b])

    def wait_gather(t, b):
        blk = wid + t * NW

        @pl.when(blk < NBLK)
        def _():
            pltpu.make_async_copy(x0_hbm.at[idx[b]], gg[b], sg[b]).wait()

    def fire_fwd(t, b):
        blk = wid + t * NW

        @pl.when(blk < NBLK)
        def _():
            pltpu.async_copy(gg[b], gfwd_hbm.at[pl.ds(blk * B, B)], so[b])

    def wait_fwd(t, b):
        blk = wid + t * NW

        @pl.when((t >= 0) & (blk < NBLK))
        def _():
            pltpu.make_async_copy(gg[b], gfwd_hbm.at[pl.ds(blk * B, B)],
                                  so[b]).wait()

    fire_idx(0, 0)
    fire_idx(1, 1)
    wait_idx(0, 0)
    fire_gather(0, 0)

    def pair(i, _):
        for b in range(2):
            t = 2 * i + b
            wait_gather(t, b)
            wait_idx(t + 1, 1 - b)
            fire_gather(t + 1, 1 - b)
            fire_idx(t + 2, b)
            wait_fwd(t - 2, b)
            fire_fwd(t, b)
        return _

    lax.fori_loop(0, PAIRS, pair, None)
    wait_fwd(2 * PAIRS - 2, 0)
    wait_fwd(2 * PAIRS - 1, 1)


def _tc_body(g_ref, x_ref, w_ref, o_ref):
    g = g_ref[...].astype(jnp.bfloat16)
    x = x_ref[...]
    m = [jnp.dot(g, w_ref[d], preferred_element_type=jnp.float32)
         for d in range(D)]
    r2 = m[D - 1]
    for d in range(D - 2, -1, -1):
        r2 = r2 * x + m[d]
    o_ref[...] = r2 * x


@jax.jit
def _run(x0, i0, x1, w):
    mesh = plsc.VectorSubcoreMesh(core_axis_name="c", subcore_axis_name="s")
    sc_fn = functools.partial(
        pl.kernel,
        mesh=mesh,
        out_type=jax.ShapeDtypeStruct((N, F), jnp.float32),
        scratch_types=[
            pltpu.VMEM((B,), jnp.int32),
            pltpu.VMEM((B,), jnp.int32),
            pltpu.VMEM((B, F), jnp.float32),
            pltpu.VMEM((B, F), jnp.float32),
            pltpu.SemaphoreType.DMA,
            pltpu.SemaphoreType.DMA,
            pltpu.SemaphoreType.DMA,
            pltpu.SemaphoreType.DMA,
            pltpu.SemaphoreType.DMA,
            pltpu.SemaphoreType.DMA,
        ],
    )(_sc_body)
    g_fwd = sc_fn(x0, i0)

    out = pl.pallas_call(
        _tc_body,
        grid=(N // BT,),
        in_specs=[
            pl.BlockSpec((BT, F), lambda i: (i, 0)),
            pl.BlockSpec((BT, F), lambda i: (i, 0)),
            pl.BlockSpec((D, F, F), lambda i: (0, 0, 0)),
        ],
        out_specs=pl.BlockSpec((BT, F), lambda i: (i, 0)),
        out_shape=jax.ShapeDtypeStruct((N, F), jnp.float32),
        compiler_params=pltpu.CompilerParams(
            dimension_semantics=("parallel",)),
    )(g_fwd, x1, w)
    return out


def kernel(x0, i0, x1, C):
    i0 = i0.astype(jnp.int32)
    w = jnp.einsum('dos,uv->dsuov', C, jnp.eye(U, dtype=jnp.float32))
    w = w.reshape(D, F, F).astype(jnp.bfloat16)
    return _run(x0, i0, x1, w)

# --- scband reference (transcript-rebuilt; emitter-appended) ---
"""Pipeline reference for scband-cudakernel-52879637348696 (READ-ONLY COPY).

The authoritative reference and input builder live on the scoring server;
editing this copy changes nothing except your own understanding.
"""

import jax, jax.numpy as jnp
import numpy as np

N = 100000   # number of nodes/rows of x1
Z = 100000   # number of rows in x0 (gathered table)
S = 4        # num segments (same for all operands, as required by the kernel)
U = 32       # segment multiplicity u
D = 3        # max_degree (correlation)


def setup_inputs(seed: int = 0) -> dict:
    key = jax.random.key(seed)
    k1, k2, k3, k4 = jax.random.split(key, 4)
    x0 = jax.random.normal(k1, (Z, S * U), dtype=jnp.float32)
    x1 = jax.random.normal(k2, (N, S * U), dtype=jnp.float32)
    i0 = jax.random.randint(k3, (N,), 0, Z, dtype=jnp.int32)
    # stacked coefficients of the segmented symmetric tensor product,
    # one [S_out, S0] mixing matrix per polynomial degree d = 1..D
    C = jax.random.normal(k4, (D, S, S), dtype=jnp.float32) * 0.1
    return {"x0": x0, "i0": i0, "x1": x1, "C": C}


def reference(x0, i0, x1, C):
    # x2[j] = sum_d sum_{s0} C_d[s_out, s0] * x0[i0[j], s0, u] * prod_{k=1}^{d} x1[j, s_out, u]
    i0 = i0.astype(jnp.int32)
    x0r = x0.reshape(x0.shape[0], x0.shape[1] // U, U)   # [Z, S, U]
    x1r = x1.reshape(x1.shape[0], x1.shape[1] // U, U)   # [N, S, U]
    g = jnp.take(x0r, i0, axis=0)                        # gather -> [N, S, U]
    out = jnp.zeros((x1r.shape[0], S, U), dtype=jnp.float32)
    for d in range(1, D + 1):
        xp = x1r ** d                                    # symmetric product collapsed to power
        mixed = jnp.einsum('os,nsu->nou', C[d - 1], g)   # segment mixing per degree
        out = out + mixed * xp
    return out.reshape(out.shape[0], -1)

if __name__ == "__main__":
    import jax
    _d = setup_inputs()
    print(jax.jit(kernel)(*tuple(_d.values())))

</pallas_src>

<mosaic_0001>
#map = affine_map<(d0, d1) -> (0, 0)>
#map1 = affine_map<(d0, d1) -> (0)>
module attributes {stable_mosaic.version = 14 : i64} {
  func.func @_sc_body(%arg0: i32, %arg1: i32, %arg2: memref<100000x128xf32, #tpu.memory_space<hbm>>, %arg3: memref<100000xi32, #tpu.memory_space<hbm>>, %arg4: memref<100000x128xf32, #tpu.memory_space<hbm>>, %arg5: memref<400xi32, #tpu.memory_space<vmem>>, %arg6: memref<400xi32, #tpu.memory_space<vmem>>, %arg7: memref<400x128xf32, #tpu.memory_space<vmem>>, %arg8: memref<400x128xf32, #tpu.memory_space<vmem>>, %arg9: memref<!tpu.dma_semaphore, #tpu.memory_space<semaphore_mem>>, %arg10: memref<!tpu.dma_semaphore, #tpu.memory_space<semaphore_mem>>, %arg11: memref<!tpu.dma_semaphore, #tpu.memory_space<semaphore_mem>>, %arg12: memref<!tpu.dma_semaphore, #tpu.memory_space<semaphore_mem>>, %arg13: memref<!tpu.dma_semaphore, #tpu.memory_space<semaphore_mem>>, %arg14: memref<!tpu.dma_semaphore, #tpu.memory_space<semaphore_mem>>) attributes {dimension_semantics = [#tpu.dimension_semantics<core_parallel>, #tpu.dimension_semantics<subcore_parallel>], iteration_bounds = array<i64: 2, 16>, scalar_prefetch = 0 : i64, scratch_operands = 10 : i64, tpu.core_type = #tpu.core_type<sc_vector_subcore>, window_params = [{transform_indices = #map}, {transform_indices = #map1}, {transform_indices = #map}]} {
    %mul3A = arith.constant 2 : i32
    %mul3A_0 = arith.muli %arg1, %mul3A : i32
    %add3A = arith.addi %mul3A_0, %arg0 : i32
    %add3A_1 = arith.constant 0 : i32
    %add3A_2 = arith.addi %add3A, %add3A_1 : i32
    %lt3A = arith.constant 250 : i32
    %lt3A_3 = arith.cmpi slt, %add3A_2, %lt3A : i32
    %convert_element_type3A = arith.extui %lt3A_3 : i1 to i32
    %cond3A = arith.constant 0 : i32
    %cond3A_4 = arith.cmpi ne, %convert_element_type3A, %cond3A : i32
    scf.if %cond3A_4 {
      %mul3A_47 = arith.constant 400 : i32
      %mul3A_48 = arith.muli %add3A_2, %mul3A_47 : i32
      %dma_start3A = tpu.memref_slice %arg3[%mul3A_48] : memref<100000xi32, #tpu.memory_space<hbm>> -> memref<400xi32, #tpu.memory_space<hbm>>
      %dma_start3A_49 = tpu.memref_slice %arg3[%mul3A_48] : memref<100000xi32, #tpu.memory_space<hbm>> -> memref<400xi32, #tpu.memory_space<hbm>>
      tpu.enqueue_dma source(%dma_start3A_49 : memref<400xi32, #tpu.memory_space<hbm>>) target(%arg5 : memref<400xi32, #tpu.memory_space<vmem>>) target_semaphore(%arg9 : memref<!tpu.dma_semaphore, #tpu.memory_space<semaphore_mem>>)
    } else {
    }
    %add3A_5 = arith.constant 32 : i32
    %add3A_6 = arith.addi %add3A, %add3A_5 : i32
    %lt3A_7 = arith.constant 250 : i32
    %lt3A_8 = arith.cmpi slt, %add3A_6, %lt3A_7 : i32
    %convert_element_type3A_9 = arith.extui %lt3A_8 : i1 to i32
    %cond3A_10 = arith.constant 0 : i32
    %cond3A_11 = arith.cmpi ne, %convert_element_type3A_9, %cond3A_10 : i32
    scf.if %cond3A_11 {
      %mul3A_47 = arith.constant 400 : i32
      %mul3A_48 = arith.muli %add3A_6, %mul3A_47 : i32
      %dma_start3A = tpu.memref_slice %arg3[%mul3A_48] : memref<100000xi32, #tpu.memory_space<hbm>> -> memref<400xi32, #tpu.memory_space<hbm>>
      %dma_start3A_49 = tpu.memref_slice %arg3[%mul3A_48] : memref<100000xi32, #tpu.memory_space<hbm>> -> memref<400xi32, #tpu.memory_space<hbm>>
      tpu.enqueue_dma source(%dma_start3A_49 : memref<400xi32, #tpu.memory_space<hbm>>) target(%arg6 : memref<400xi32, #tpu.memory_space<vmem>>) target_semaphore(%arg10 : memref<!tpu.dma_semaphore, #tpu.memory_space<semaphore_mem>>)
    } else {
    }
    %add3A_12 = arith.constant 0 : i32
    %add3A_13 = arith.addi %add3A, %add3A_12 : i32
    %lt3A_14 = arith.constant 250 : i32
    %lt3A_15 = arith.cmpi slt, %add3A_13, %lt3A_14 : i32
    %convert_element_type3A_16 = arith.extui %lt3A_15 : i1 to i32
    %cond3A_17 = arith.constant 0 : i32
    %cond3A_18 = arith.cmpi ne, %convert_element_type3A_16, %cond3A_17 : i32
    scf.if %cond3A_18 {
      %mul3A_47 = arith.constant 400 : i32
      %mul3A_48 = arith.muli %add3A_13, %mul3A_47 : i32
      %dma_wait3A = tpu.memref_slice %arg3[%mul3A_48] : memref<100000xi32, #tpu.memory_space<hbm>> -> memref<400xi32, #tpu.memory_space<hbm>>
      %dma_wait3A_49 = tpu.memref_slice %arg3[%mul3A_48] : memref<100000xi32, #tpu.memory_space<hbm>> -> memref<400xi32, #tpu.memory_space<hbm>>
      tpu.wait_dma2 semaphore(%arg9 : memref<!tpu.dma_semaphore, #tpu.memory_space<semaphore_mem>>) src(%dma_wait3A_49 : memref<400xi32, #tpu.memory_space<hbm>>) dst(%arg5 : memref<400xi32, #tpu.memory_space<vmem>>)
    } else {
    }
    %add3A_19 = arith.constant 0 : i32
    %add3A_20 = arith.addi %add3A, %add3A_19 : i32
    %lt3A_21 = arith.constant 250 : i32
    %lt3A_22 = arith.cmpi slt, %add3A_20, %lt3A_21 : i32
    %convert_element_type3A_23 = arith.extui %lt3A_22 : i1 to i32
    %cond3A_24 = arith.constant 0 : i32
    %cond3A_25 = arith.cmpi ne, %convert_element_type3A_23, %cond3A_24 : i32
    scf.if %cond3A_25 {
      %dma_start3A = arith.constant 0 : i32
      %dma_start3A_47 = arith.constant 0 : i32
      %dma_start3A_48 = tpu.memref_slice %arg2[%dma_start3A, %dma_start3A_47] : memref<100000x128xf32, #tpu.memory_space<hbm>> -> memref<100000x128xf32, #tpu.memory_space<hbm>>
      tpu.enqueue_indirect_dma source(%dma_start3A_48 : memref<100000x128xf32, #tpu.memory_space<hbm>>) target(%arg7 : memref<400x128xf32, #tpu.memory_space<vmem>>) offsets(%arg5 : memref<400xi32, #tpu.memory_space<vmem>>) semaphore(%arg11 : memref<!tpu.dma_semaphore, #tpu.memory_space<semaphore_mem>>)
    } else {
    }
    %scan3A = arith.constant 0 : i32
    %scan3A_26 = arith.constant 4 : i32
    %scan3A_27 = arith.addi %scan3A, %scan3A_26 : i32
    %scan3A_28 = arith.constant 1 : i32
    scf.for %scan3A_47 = %scan3A to %scan3A_27 step %scan3A_28  : i32 {
      %mul3A_48 = arith.constant 2 : i32
      %mul3A_49 = arith.muli %mul3A_48, %scan3A_47 : i32
      %add3A_50 = arith.constant 0 : i32
      %add3A_51 = arith.addi %mul3A_49, %add3A_50 : i32
      %mul3A_52 = arith.constant 32 : i32
      %mul3A_53 = arith.muli %add3A_51, %mul3A_52 : i32
      %add3A_54 = arith.addi %add3A, %mul3A_53 : i32
      %lt3A_55 = arith.constant 250 : i32
      %lt3A_56 = arith.cmpi slt, %add3A_54, %lt3A_55 : i32
      %convert_element_type3A_57 = arith.extui %lt3A_56 : i1 to i32
      %cond3A_58 = arith.constant 0 : i32
      %cond3A_59 = arith.cmpi ne, %convert_element_type3A_57, %cond3A_58 : i32
      scf.if %cond3A_59 {
        %dma_wait3A = arith.constant 0 : i32
        %dma_wait3A_172 = arith.constant 0 : i32
        %dma_wait3A_173 = tpu.memref_slice %arg2[%dma_wait3A, %dma_wait3A_172] : memref<100000x128xf32, #tpu.memory_space<hbm>> -> memref<100000x128xf32, #tpu.memory_space<hbm>>
        tpu.wait_indirect_dma semaphore(%arg11 : memref<!tpu.dma_semaphore, #tpu.memory_space<semaphore_mem>>) src(%dma_wait3A_173 : memref<100000x128xf32, #tpu.memory_space<hbm>>) dst(%arg7 : memref<400x128xf32, #tpu.memory_space<vmem>>)
      } else {
      }
      %add3A_60 = arith.constant 1 : i32
      %add3A_61 = arith.addi %add3A_51, %add3A_60 : i32
      %mul3A_62 = arith.constant 32 : i32
      %mul3A_63 = arith.muli %add3A_61, %mul3A_62 : i32
      %add3A_64 = arith.addi %add3A, %mul3A_63 : i32
      %lt3A_65 = arith.constant 250 : i32
      %lt3A_66 = arith.cmpi slt, %add3A_64, %lt3A_65 : i32
      %convert_element_type3A_67 = arith.extui %lt3A_66 : i1 to i32
      %cond3A_68 = arith.constant 0 : i32
      %cond3A_69 = arith.cmpi ne, %convert_element_type3A_67, %cond3A_68 : i32
      scf.if %cond3A_69 {
        %mul3A_172 = arith.constant 400 : i32
        %mul3A_173 = arith.muli %add3A_64, %mul3A_172 : i32
        %dma_wait3A = tpu.memref_slice %arg3[%mul3A_173] : memref<100000xi32, #tpu.memory_space<hbm>> -> memref<400xi32, #tpu.memory_space<hbm>>
        %dma_wait3A_174 = tpu.memref_slice %arg3[%mul3A_173] : memref<100000xi32, #tpu.memory_space<hbm>> -> memref<400xi32, #tpu.memory_space<hbm>>
        tpu.wait_dma2 semaphore(%arg10 : memref<!tpu.dma_semaphore, #tpu.memory_space<semaphore_mem>>) src(%dma_wait3A_174 : memref<400xi32, #tpu.memory_space<hbm>>) dst(%arg6 : memref<400xi32, #tpu.memory_space<vmem>>)
      } else {
      }
      %add3A_70 = arith.constant 1 : i32
      %add3A_71 = arith.addi %add3A_51, %add3A_70 : i32
      %mul3A_72 = arith.constant 32 : i32
      %mul3A_73 = arith.muli %add3A_71, %mul3A_72 : i32
      %add3A_74 = arith.addi %add3A, %mul3A_73 : i32
      %lt3A_75 = arith.constant 250 : i32
      %lt3A_76 = arith.cmpi slt, %add3A_74, %lt3A_75 : i32
      %convert_element_type3A_77 = arith.extui %lt3A_76 : i1 to i32
      %cond3A_78 = arith.constant 0 : i32
      %cond3A_79 = arith.cmpi ne, %convert_element_type3A_77, %cond3A_78 : i32
      scf.if %cond3A_79 {
        %dma_start3A = arith.constant 0 : i32
        %dma_start3A_172 = arith.constant 0 : i32
        %dma_start3A_173 = tpu.memref_slice %arg2[%dma_start3A, %dma_start3A_172] : memref<100000x128xf32, #tpu.memory_space<hbm>> -> memref<100000x128xf32, #tpu.memory_space<hbm>>
        tpu.enqueue_indirect_dma source(%dma_start3A_173 : memref<100000x128xf32, #tpu.memory_space<hbm>>) target(%arg8 : memref<400x128xf32, #tpu.memory_space<vmem>>) offsets(%arg6 : memref<400xi32, #tpu.memory_space<vmem>>) semaphore(%arg12 : memref<!tpu.dma_semaphore, #tpu.memory_space<semaphore_mem>>)
      } else {
      }
      %add3A_80 = arith.constant 2 : i32
      %add3A_81 = arith.addi %add3A_51, %add3A_80 : i32
      %mul3A_82 = arith.constant 32 : i32
      %mul3A_83 = arith.muli %add3A_81, %mul3A_82 : i32
      %add3A_84 = arith.addi %add3A, %mul3A_83 : i32
      %lt3A_85 = arith.constant 250 : i32
      %lt3A_86 = arith.cmpi slt, %add3A_84, %lt3A_85 : i32
      %convert_element_type3A_87 = arith.extui %lt3A_86 : i1 to i32
      %cond3A_88 = arith.constant 0 : i32
      %cond3A_89 = arith.cmpi ne, %convert_element_type3A_87, %cond3A_88 : i32
      scf.if %cond3A_89 {
        %mul3A_172 = arith.constant 400 : i32
        %mul3A_173 = arith.muli %add3A_84, %mul3A_172 : i32
        %dma_start3A = tpu.memref_slice %arg3[%mul3A_173] : memref<100000xi32, #tpu.memory_space<hbm>> -> memref<400xi32, #tpu.memory_space<hbm>>
        %dma_start3A_174 = tpu.memref_slice %arg3[%mul3A_173] : memref<100000xi32, #tpu.memory_space<hbm>> -> memref<400xi32, #tpu.memory_space<hbm>>
        tpu.enqueue_dma source(%dma_start3A_174 : memref<400xi32, #tpu.memory_space<hbm>>) target(%arg5 : memref<400xi32, #tpu.memory_space<vmem>>) target_semaphore(%arg9 : memref<!tpu.dma_semaphore, #tpu.memory_space<semaphore_mem>>)
      } else {
      }
      %sub3A = arith.constant 2 : i32
      %sub3A_90 = arith.subi %add3A_51, %sub3A : i32
      %mul3A_91 = arith.constant 32 : i32
      %mul3A_92 = arith.muli %sub3A_90, %mul3A_91 : i32
      %add3A_93 = arith.addi %add3A, %mul3A_92 : i32
      %ge3A = arith.constant 0 : i32
      %ge3A_94 = arith.cmpi sge, %sub3A_90, %ge3A : i32
      %lt3A_95 = arith.constant 250 : i32
      %lt3A_96 = arith.cmpi slt, %add3A_93, %lt3A_95 : i32
      %and3A_97 = arith.andi %ge3A_94, %lt3A_96 : i1
      %convert_element_type3A_98 = arith.extui %and3A_97 : i1 to i32
      %cond3A_99 = arith.constant 0 : i32
      %cond3A_100 = arith.cmpi ne, %convert_element_type3A_98, %cond3A_99 : i32
      scf.if %cond3A_100 {
        %mul3A_172 = arith.constant 400 : i32
        %mul3A_173 = arith.muli %add3A_93, %mul3A_172 : i32
        %dma_wait3A = arith.constant 0 : i32
        %dma_wait3A_174 = tpu.memref_slice %arg4[%mul3A_173, %dma_wait3A] : memref<100000x128xf32, #tpu.memory_space<hbm>> -> memref<400x128xf32, #tpu.memory_space<hbm>>
        %dma_wait3A_175 = arith.constant 0 : i32
        %dma_wait3A_176 = tpu.memref_slice %arg4[%mul3A_173, %dma_wait3A_175] : memref<100000x128xf32, #tpu.memory_space<hbm>> -> memref<400x128xf32, #tpu.memory_space<hbm>>
        tpu.wait_dma2 semaphore(%arg13 : memref<!tpu.dma_semaphore, #tpu.memory_space<semaphore_mem>>) src(%arg7 : memref<400x128xf32, #tpu.memory_space<vmem>>) dst(%dma_wait3A_176 : memref<400x128xf32, #tpu.memory_space<hbm>>)
      } else {
      }
      %mul3A_101 = arith.constant 32 : i32
      %mul3A_102 = arith.muli %add3A_51, %mul3A_101 : i32
      %add3A_103 = arith.addi %add3A, %mul3A_102 : i32
      %lt3A_104 = arith.constant 250 : i32
      %lt3A_105 = arith.cmpi slt, %add3A_103, %lt3A_104 : i32
      %convert_element_type3A_106 = arith.extui %lt3A_105 : i1 to i32
      %cond3A_107 = arith.constant 0 : i32
      %cond3A_108 = arith.cmpi ne, %convert_element_type3A_106, %cond3A_107 : i32
      scf.if %cond3A_108 {
        %mul3A_172 = arith.constant 400 : i32
        %mul3A_173 = arith.muli %add3A_103, %mul3A_172 : i32
        %dma_start3A = arith.constant 0 : i32
        %dma_start3A_174 = tpu.memref_slice %arg4[%mul3A_173, %dma_start3A] : memref<100000x128xf32, #tpu.memory_space<hbm>> -> memref<400x128xf32, #tpu.memory_space<hbm>>
        %dma_start3A_175 = arith.constant 0 : i32
        %dma_start3A_176 = tpu.memref_slice %arg4[%mul3A_173, %dma_start3A_175] : memref<100000x128xf32, #tpu.memory_space<hbm>> -> memref<400x128xf32, #tpu.memory_space<hbm>>
        tpu.enqueue_dma source(%arg7 : memref<400x128xf32, #tpu.memory_space<vmem>>) target(%dma_start3A_176 : memref<400x128xf32, #tpu.memory_space<hbm>>) target_semaphore(%arg13 : memref<!tpu.dma_semaphore, #tpu.memory_space<semaphore_mem>>)
      } else {
      }
      %mul3A_109 = arith.constant 2 : i32
      %mul3A_110 = arith.muli %mul3A_109, %scan3A_47 : i32
      %add3A_111 = arith.constant 1 : i32
      %add3A_112 = arith.addi %mul3A_110, %add3A_111 : i32
      %mul3A_113 = arith.constant 32 : i32
      %mul3A_114 = arith.muli %add3A_112, %mul3A_113 : i32
      %add3A_115 = arith.addi %add3A, %mul3A_114 : i32
      %lt3A_116 = arith.constant 250 : i32
      %lt3A_117 = arith.cmpi slt, %add3A_115, %lt3A_116 : i32
      %convert_element_type3A_118 = arith.extui %lt3A_117 : i1 to i32
      %cond3A_119 = arith.constant 0 : i32
      %cond3A_120 = arith.cmpi ne, %convert_element_type3A_118, %cond3A_119 : i32
      scf.if %cond3A_120 {
        %dma_wait3A = arith.constant 0 : i32
        %dma_wait3A_172 = arith.constant 0 : i32
        %dma_wait3A_173 = tpu.memref_slice %arg2[%dma_wait3A, %dma_wait3A_172] : memref<100000x128xf32, #tpu.memory_space<hbm>> -> memref<100000x128xf32, #tpu.memory_space<hbm>>
        tpu.wait_indirect_dma semaphore(%arg12 : memref<!tpu.dma_semaphore, #tpu.memory_space<semaphore_mem>>) src(%dma_wait3A_173 : memref<100000x128xf32, #tpu.memory_space<hbm>>) dst(%arg8 : memref<400x128xf32, #tpu.memory_space<vmem>>)
      } else {
      }
      %add3A_121 = arith.constant 1 : i32
      %add3A_122 = arith.addi %add3A_112, %add3A_121 : i32
      %mul3A_123 = arith.constant 32 : i32
      %mul3A_124 = arith.muli %add3A_122, %mul3A_123 : i32
      %add3A_125 = arith.addi %add3A, %mul3A_124 : i32
      %lt3A_126 = arith.constant 250 : i32
      %lt3A_127 = arith.cmpi slt, %add3A_125, %lt3A_126 : i32
      %convert_element_type3A_128 = arith.extui %lt3A_127 : i1 to i32
      %cond3A_129 = arith.constant 0 : i32
      %cond3A_130 = arith.cmpi ne, %convert_element_type3A_128, %cond3A_129 : i32
      scf.if %cond3A_130 {
        %mul3A_172 = arith.constant 400 : i32
        %mul3A_173 = arith.muli %add3A_125, %mul3A_172 : i32
        %dma_wait3A = tpu.memref_slice %arg3[%mul3A_173] : memref<100000xi32, #tpu.memory_space<hbm>> -> memref<400xi32, #tpu.memory_space<hbm>>
        %dma_wait3A_174 = tpu.memref_slice %arg3[%mul3A_173] : memref<100000xi32, #tpu.memory_space<hbm>> -> memref<400xi32, #tpu.memory_space<hbm>>
        tpu.wait_dma2 semaphore(%arg9 : memref<!tpu.dma_semaphore, #tpu.memory_space<semaphore_mem>>) src(%dma_wait3A_174 : memref<400xi32, #tpu.memory_space<hbm>>) dst(%arg5 : memref<400xi32, #tpu.memory_space<vmem>>)
      } else {
      }
      %add3A_131 = arith.constant 1 : i32
      %add3A_132 = arith.addi %add3A_112, %add3A_131 : i32
      %mul3A_133 = arith.constant 32 : i32
      %mul3A_134 = arith.muli %add3A_132, %mul3A_133 : i32
      %add3A_135 = arith.addi %add3A, %mul3A_134 : i32
      %lt3A_136 = arith.constant 250 : i32
      %lt3A_137 = arith.cmpi slt, %add3A_135, %lt3A_136 : i32
      %convert_element_type3A_138 = arith.extui %lt3A_137 : i1 to i32
      %cond3A_139 = arith.constant 0 : i32
      %cond3A_140 = arith.cmpi ne, %convert_element_type3A_138, %cond3A_139 : i32
      scf.if %cond3A_140 {
        %dma_start3A = arith.constant 0 : i32
        %dma_start3A_172 = arith.constant 0 : i32
        %dma_start3A_173 = tpu.memref_slice %arg2[%dma_start3A, %dma_start3A_172] : memref<100000x128xf32, #tpu.memory_space<hbm>> -> memref<100000x128xf32, #tpu.memory_space<hbm>>
        tpu.enqueue_indirect_dma source(%dma_start3A_173 : memref<100000x128xf32, #tpu.memory_space<hbm>>) target(%arg7 : memref<400x128xf32, #tpu.memory_space<vmem>>) offsets(%arg5 : memref<400xi32, #tpu.memory_space<vmem>>) semaphore(%arg11 : memref<!tpu.dma_semaphore, #tpu.memory_space<semaphore_mem>>)
      } else {
      }
      %add3A_141 = arith.constant 2 : i32
      %add3A_142 = arith.addi %add3A_112, %add3A_141 : i32
      %mul3A_143 = arith.constant 32 : i32
      %mul3A_144 = arith.muli %add3A_142, %mul3A_143 : i32
      %add3A_145 = arith.addi %add3A, %mul3A_144 : i32
      %lt3A_146 = arith.constant 250 : i32
      %lt3A_147 = arith.cmpi slt, %add3A_145, %lt3A_146 : i32
      %convert_element_type3A_148 = arith.extui %lt3A_147 : i1 to i32
      %cond3A_149 = arith.constant 0 : i32
      %cond3A_150 = arith.cmpi ne, %convert_element_type3A_148, %cond3A_149 : i32
      scf.if %cond3A_150 {
        %mul3A_172 = arith.constant 400 : i32
        %mul3A_173 = arith.muli %add3A_145, %mul3A_172 : i32
        %dma_start3A = tpu.memref_slice %arg3[%mul3A_173] : memref<100000xi32, #tpu.memory_space<hbm>> -> memref<400xi32, #tpu.memory_space<hbm>>
        %dma_start3A_174 = tpu.memref_slice %arg3[%mul3A_173] : memref<100000xi32, #tpu.memory_space<hbm>> -> memref<400xi32, #tpu.memory_space<hbm>>
        tpu.enqueue_dma source(%dma_start3A_174 : memref<400xi32, #tpu.memory_space<hbm>>) target(%arg6 : memref<400xi32, #tpu.memory_space<vmem>>) target_semaphore(%arg10 : memref<!tpu.dma_semaphore, #tpu.memory_space<semaphore_mem>>)
      } else {
      }
      %sub3A_151 = arith.constant 2 : i32
      %sub3A_152 = arith.subi %add3A_112, %sub3A_151 : i32
      %mul3A_153 = arith.constant 32 : i32
      %mul3A_154 = arith.muli %sub3A_152, %mul3A_153 : i32
      %add3A_155 = arith.addi %add3A, %mul3A_154 : i32
      %ge3A_156 = arith.constant 0 : i32
      %ge3A_157 = arith.cmpi sge, %sub3A_152, %ge3A_156 : i32
      %lt3A_158 = arith.constant 250 : i32
      %lt3A_159 = arith.cmpi slt, %add3A_155, %lt3A_158 : i32
      %and3A_160 = arith.andi %ge3A_157, %lt3A_159 : i1
      %convert_element_type3A_161 = arith.extui %and3A_160 : i1 to i32
      %cond3A_162 = arith.constant 0 : i32
      %cond3A_163 = arith.cmpi ne, %convert_element_type3A_161, %cond3A_162 : i32
      scf.if %cond3A_163 {
        %mul3A_172 = arith.constant 400 : i32
        %mul3A_173 = arith.muli %add3A_155, %mul3A_172 : i32
        %dma_wait3A = arith.constant 0 : i32
        %dma_wait3A_174 = tpu.memref_slice %arg4[%mul3A_173, %dma_wait3A] : memref<100000x128xf32, #tpu.memory_space<hbm>> -> memref<400x128xf32, #tpu.memory_space<hbm>>
        %dma_wait3A_175 = arith.constant 0 : i32
        %dma_wait3A_176 = tpu.memref_slice %arg4[%mul3A_173, %dma_wait3A_175] : memref<100000x128xf32, #tpu.memory_space<hbm>> -> memref<400x128xf32, #tpu.memory_space<hbm>>
        tpu.wait_dma2 semaphore(%arg14 : memref<!tpu.dma_semaphore, #tpu.memory_space<semaphore_mem>>) src(%arg8 : memref<400x128xf32, #tpu.memory_space<vmem>>) dst(%dma_wait3A_176 : memref<400x128xf32, #tpu.memory_space<hbm>>)
      } else {
      }
      %mul3A_164 = arith.constant 32 : i32
      %mul3A_165 = arith.muli %add3A_112, %mul3A_164 : i32
      %add3A_166 = arith.addi %add3A, %mul3A_165 : i32
      %lt3A_167 = arith.constant 250 : i32
      %lt3A_168 = arith.cmpi slt, %add3A_166, %lt3A_167 : i32
      %convert_element_type3A_169 = arith.extui %lt3A_168 : i1 to i32
      %cond3A_170 = arith.constant 0 : i32
      %cond3A_171 = arith.cmpi ne, %convert_element_type3A_169, %cond3A_170 : i32
      scf.if %cond3A_171 {
        %mul3A_172 = arith.constant 400 : i32
        %mul3A_173 = arith.muli %add3A_166, %mul3A_172 : i32
        %dma_start3A = arith.constant 0 : i32
        %dma_start3A_174 = tpu.memref_slice %arg4[%mul3A_173, %dma_start3A] : memref<100000x128xf32, #tpu.memory_space<hbm>> -> memref<400x128xf32, #tpu.memory_space<hbm>>
        %dma_start3A_175 = arith.constant 0 : i32
        %dma_start3A_176 = tpu.memref_slice %arg4[%mul3A_173, %dma_start3A_175] : memref<100000x128xf32, #tpu.memory_space<hbm>> -> memref<400x128xf32, #tpu.memory_space<hbm>>
        tpu.enqueue_dma source(%arg8 : memref<400x128xf32, #tpu.memory_space<vmem>>) target(%dma_start3A_176 : memref<400x128xf32, #tpu.memory_space<hbm>>) target_semaphore(%arg14 : memref<!tpu.dma_semaphore, #tpu.memory_space<semaphore_mem>>)
      } else {
      }
    }
    %scan3A_29 = arith.constant 4 : i32
    %add3A_30 = arith.constant 192 : i32
    %add3A_31 = arith.addi %add3A, %add3A_30 : i32
    %lt3A_32 = arith.constant 250 : i32
    %lt3A_33 = arith.cmpi slt, %add3A_31, %lt3A_32 : i32
    %and3A = arith.constant true
    %and3A_34 = arith.andi %and3A, %lt3A_33 : i1
    %convert_element_type3A_35 = arith.extui %and3A_34 : i1 to i32
    %cond3A_36 = arith.constant 0 : i32
    %cond3A_37 = arith.cmpi ne, %convert_element_type3A_35, %cond3A_36 : i32
    scf.if %cond3A_37 {
      %mul3A_47 = arith.constant 400 : i32
      %mul3A_48 = arith.muli %add3A_31, %mul3A_47 : i32
      %dma_wait3A = arith.constant 0 : i32
      %dma_wait3A_49 = tpu.memref_slice %arg4[%mul3A_48, %dma_wait3A] : memref<100000x128xf32, #tpu.memory_space<hbm>> -> memref<400x128xf32, #tpu.memory_space<hbm>>
      %dma_wait3A_50 = arith.constant 0 : i32
      %dma_wait3A_51 = tpu.memref_slice %arg4[%mul3A_48, %dma_wait3A_50] : memref<100000x128xf32, #tpu.memory_space<hbm>> -> memref<400x128xf32, #tpu.memory_space<hbm>>
      tpu.wait_dma2 semaphore(%arg13 : memref<!tpu.dma_semaphore, #tpu.memory_space<semaphore_mem>>) src(%arg7 : memref<400x128xf32, #tpu.memory_space<vmem>>) dst(%dma_wait3A_51 : memref<400x128xf32, #tpu.memory_space<hbm>>)
    } else {
    }
    %add3A_38 = arith.constant 224 : i32
    %add3A_39 = arith.addi %add3A, %add3A_38 : i32
    %lt3A_40 = arith.constant 250 : i32
    %lt3A_41 = arith.cmpi slt, %add3A_39, %lt3A_40 : i32
    %and3A_42 = arith.constant true
    %and3A_43 = arith.andi %and3A_42, %lt3A_41 : i1
    %convert_element_type3A_44 = arith.extui %and3A_43 : i1 to i32
    %cond3A_45 = arith.constant 0 : i32
    %cond3A_46 = arith.cmpi ne, %convert_element_type3A_44, %cond3A_45 : i32
    scf.if %cond3A_46 {
      %mul3A_47 = arith.constant 400 : i32
      %mul3A_48 = arith.muli %add3A_39, %mul3A_47 : i32
      %dma_wait3A = arith.constant 0 : i32
      %dma_wait3A_49 = tpu.memref_slice %arg4[%mul3A_48, %dma_wait3A] : memref<100000x128xf32, #tpu.memory_space<hbm>> -> memref<400x128xf32, #tpu.memory_space<hbm>>
      %dma_wait3A_50 = arith.constant 0 : i32
      %dma_wait3A_51 = tpu.memref_slice %arg4[%mul3A_48, %dma_wait3A_50] : memref<100000x128xf32, #tpu.memory_space<hbm>> -> memref<400x128xf32, #tpu.memory_space<hbm>>
      tpu.wait_dma2 semaphore(%arg14 : memref<!tpu.dma_semaphore, #tpu.memory_space<semaphore_mem>>) src(%arg8 : memref<400x128xf32, #tpu.memory_space<vmem>>) dst(%dma_wait3A_51 : memref<400x128xf32, #tpu.memory_space<hbm>>)
    } else {
    }
    return
  }
}

module attributes {stable_mosaic.version = 14 : i64} {
  func.func @_tc_body(%arg0: i32, %arg1: memref<4000x128xf32, #tpu.memory_space<vmem>>, %arg2: memref<4000x128xf32, #tpu.memory_space<vmem>>, %arg3: memref<3x128x128xbf16, #tpu.memory_space<vmem>>, %arg4: memref<4000x128xf32, #tpu.memory_space<vmem>>) attributes {dimension_semantics = [#tpu.dimension_semantics<parallel>], iteration_bounds = array<i64: 25>, scalar_prefetch = 0 : i64, scratch_operands = 0 : i64, tpu.core_type = #tpu.core_type<tc>, window_params = [{transform_indices = @transform_0, window_bounds = array<i64: 4000, 128>}, {transform_indices = @transform_1, window_bounds = array<i64: 4000, 128>}, {pipeline_mode = #tpu.pipeline_mode<synchronous>, transform_indices = @transform_2, window_bounds = array<i64: 3, 128, 128>}, {transform_indices = @transform_3, window_bounds = array<i64: 4000, 128>}]} {
    %get3A = arith.constant 0 : index
    %get3A_0 = arith.constant 0 : index
    %get3A_1 = vector.load %arg1[%get3A, %get3A_0] : memref<4000x128xf32, #tpu.memory_space<vmem>>, vector<4000x128xf32>
    %convert_element_type3A = arith.truncf %get3A_1 : vector<4000x128xf32> to vector<4000x128xbf16>
    %get3A_2 = arith.constant 0 : index
    %get3A_3 = arith.constant 0 : index
    %get3A_4 = vector.load %arg2[%get3A_2, %get3A_3] : memref<4000x128xf32, #tpu.memory_space<vmem>>, vector<4000x128xf32>
    %get3A_5 = arith.constant 0 : index
    %get3A_6 = arith.constant 0 : index
    %get3A_7 = arith.constant 0 : index
    %get3A_8 = vector.load %arg3[%get3A_5, %get3A_6, %get3A_7] : memref<3x128x128xbf16, #tpu.memory_space<vmem>>, vector<1x128x128xbf16>
    %get3A_9 = vector.shape_cast %get3A_8 : vector<1x128x128xbf16> to vector<128x128xbf16>
    %dot_general3A = arith.constant dense<0.000000e+00> : vector<4000x128xf32>
    %dot_general3A_10 = tpu.matmul %convert_element_type3A, %get3A_9, %dot_general3A {dimension_numbers = #tpu.dot_dimension_numbers<[1], [0], [0], [1], [0, 0, 1, 1], [], []>, transpose_lhs_hint = false} : vector<4000x128xbf16>, vector<128x128xbf16>, vector<4000x128xf32> -> vector<4000x128xf32>
    %get3A_11 = arith.constant 1 : index
    %get3A_12 = arith.constant 0 : index
    %get3A_13 = arith.constant 0 : index
    %get3A_14 = vector.load %arg3[%get3A_11, %get3A_12, %get3A_13] : memref<3x128x128xbf16, #tpu.memory_space<vmem>>, vector<1x128x128xbf16>
    %get3A_15 = vector.shape_cast %get3A_14 : vector<1x128x128xbf16> to vector<128x128xbf16>
    %dot_general3A_16 = arith.constant dense<0.000000e+00> : vector<4000x128xf32>
    %dot_general3A_17 = tpu.matmul %convert_element_type3A, %get3A_15, %dot_general3A_16 {dimension_numbers = #tpu.dot_dimension_numbers<[1], [0], [0], [1], [0, 0, 1, 1], [], []>, transpose_lhs_hint = false} : vector<4000x128xbf16>, vector<128x128xbf16>, vector<4000x128xf32> -> vector<4000x128xf32>
    %get3A_18 = arith.constant 2 : index
    %get3A_19 = arith.constant 0 : index
    %get3A_20 = arith.constant 0 : index
    %get3A_21 = vector.load %arg3[%get3A_18, %get3A_19, %get3A_20] : memref<3x128x128xbf16, #tpu.memory_space<vmem>>, vector<1x128x128xbf16>
    %get3A_22 = vector.shape_cast %get3A_21 : vector<1x128x128xbf16> to vector<128x128xbf16>
    %dot_general3A_23 = arith.constant dense<0.000000e+00> : vector<4000x128xf32>
    %dot_general3A_24 = tpu.matmul %convert_element_type3A, %get3A_22, %dot_general3A_23 {dimension_numbers = #tpu.dot_dimension_numbers<[1], [0], [0], [1], [0, 0, 1, 1], [], []>, transpose_lhs_hint = false} : vector<4000x128xbf16>, vector<128x128xbf16>, vector<4000x128xf32> -> vector<4000x128xf32>
    %mul3A = arith.mulf %dot_general3A_24, %get3A_4 : vector<4000x128xf32>
    %add3A = arith.addf %mul3A, %dot_general3A_17 : vector<4000x128xf32>
    %mul3A_25 = arith.mulf %add3A, %get3A_4 : vector<4000x128xf32>
    %add3A_26 = arith.addf %mul3A_25, %dot_general3A_10 : vector<4000x128xf32>
    %mul3A_27 = arith.mulf %add3A_26, %get3A_4 : vector<4000x128xf32>
    %swap3A = arith.constant 0 : index
    %swap3A_28 = arith.constant 0 : index
    %swap3A_29 = vector.load %arg4[%swap3A, %swap3A_28] : memref<4000x128xf32, #tpu.memory_space<vmem>>, vector<4000x128xf32>
    tpu.vector_store %arg4[%swap3A, %swap3A_28], %mul3A_27 {strides = array<i32>} : memref<4000x128xf32, #tpu.memory_space<vmem>>, vector<4000x128xf32>,
    return
  }
  func.func @transform_0(%arg0: i32) -> (i32, i32) {
    %c0_i32 = arith.constant 0 : i32
    %c0_i32_0 = arith.constant 0 : i32
    return %arg0, %c0_i32 : i32, i32
  }
  func.func @transform_1(%arg0: i32) -> (i32, i32) {
    %c0_i32 = arith.constant 0 : i32
    %c0_i32_0 = arith.constant 0 : i32
    return %arg0, %c0_i32 : i32, i32
  }
  func.func @transform_2(%arg0: i32) -> (i32, i32, i32) {
    %c0_i32 = arith.constant 0 : i32
    %c0_i32_0 = arith.constant 0 : i32
    %c0_i32_1 = arith.constant 0 : i32
    %c0_i32_2 = arith.constant 0 : i32
    return %c0_i32, %c0_i32_0, %c0_i32_1 : i32, i32, i32
  }
  func.func @transform_3(%arg0: i32) -> (i32, i32) {
    %c0_i32 = arith.constant 0 : i32
    %c0_i32_0 = arith.constant 0 : i32
    return %arg0, %c0_i32 : i32, i32
  }
}

</mosaic_0001>

<sc_bundles>
// kernel: _run.4.cloned.1.call-start
scs
__scs_entry_jumppad:
0x0: {  	(pc) =	sbr.rel $0x88, $3  }
0x1: {  	(tag) =	ssettag $0x0;
	lr =	simm.s32 $0x1  }
0x2: {  	[smem:$0x3F9D] =	sst lr;
	_ =	strace $0xD0000000  }
0x3: {  	_ = 	snop  }
0x4: {  	_ = 	snop  }
0x5: {  	_ = 	snop  }
0x6: {  	_ = 	snop  }
0x7: {  	_ = 	snop  }
__scs_overlays_trampoline_lowered:
0x8: {  	[smem:$0x3FAC] =	sst s0  }
0x9: {  	[smem:$0x3FAD] =	sst s1  }
0xa: {  	[smem:$0x3FAE] =	sst s2  }
0xb: {  	[smem:$0x3FAF] =	sst s3  }
0xc: {  	[smem:$0x3FB0] =	sst s4  }
0xd: {  	[smem:$0x3FB1] =	sst s5  }
0xe: {  	[smem:$0x3FB2] =	sst s6  }
0xf: {  	[smem:$0x3FB3] =	sst s7  }
0x10: {  	[smem:$0x3FB4] =	sst s8  }
0x11: {  	[smem:$0x3FB5] =	sst s9;
	s0 =	simm.s32 @!p0 $0x0  }
0x12: {  	s1 =	sld [smem:$0x3F9B];
	s0 =	simm.s32 @p0 $0x1  }
0x13: {  	[smem:$0x3FB6] =	sst s0;
	s0 =	simm.s32 @!p1 $0x0  }
0x14: {  	s2 =	sld [smem:$0x3F9A];
	s0 =	simm.s32 @p1 $0x1  }
0x15: {  	[smem:$0x3FB7] =	sst s0;
	s0 =	simm.s32 @!p2 $0x0  }
0x16: {  	s3 =	sld [smem:$0x3FDB];
	s0 =	simm.s32 @p2 $0x1  }
0x17: {  	s4 =	simm.s32 $0x1BF5;
	[smem:$0x3FB9] =	sst s0  }
0x18: {  	s0 =	sld [smem:$0x3F9C];
	_ =	swait.ge [sflag:s4], $0x0  }
0x19: {  	s7 =	sld [smem:$0x3F9D]  }
0x1a: {  	s8 =	sadd.s32 $0xFFFFE003, lr  }
0x1b: {  	s9 =	sadd.s32 $0xFFFFFEF7, lr;
	s5 =	simm.s32 $0xFFFFFFFF;
	p2 =	slt.u32 s8, $0xFFFFF086  }
0x1c: {  	p1 =	slt.u32 s9, $0xF7A;
	s5 =	simm.s32 @!p2 $0x0  }
0x1d: {  	s5 =	simm.s32 @p1 $0x1;
	p0 =	seq.s32 s7, s2  }
0x1e: {  	s7 =	smul.u32 @!p0 $0xF7A, s2;
	p2 =	seq.s32 @!p0 s5, $0x0  }
0x1f: {  	s9 =	smul.u32 $0xF7A, s1;
	s8 =	simm.s32 @!p0 $0x1BF5;
	p2 =	por !p2, p0  }
0x20: {  	[sflag:s8] =	ssyncset.s32 @!p0 $0xFFFFF086;
	s6 =	sadd.s32 @!p0 s3, s7;
	s7 =	simm.s32 @!p0 $0x108  }
0x21: {  	s3 =	sadd.s32 s3, s9;
	s6 =	sadd.s32 @!p0 $0x88, s6;
	s7 =	simm.s32 @p2 $0x1082  }
0x22: {  	[simem:s7], [sflag:s8] =	dma.local @!p0 [hbm:s6], $0xF7A  }
0x23: {  	s9 =	sor.u32 $0xD0000000, s2;
	s6 =	simm.s32 $0x108;
	_ =	swait.ge @!p0 [sflag:s8], $0x0  }
0x24: {  	s3 =	sadd.s32 $0x88, s3;
	s6 =	simm.s32 @!p1 $0x1082;
	[sflag:s4] =	ssyncset.s32 $0xFFFFF086  }
0x25: {  	[simem:s6], [sflag:s4] =	dma.local [hbm:s3], $0xF7A  }
0x26: {  	[smem:$0x3F9D] =	sst s1;
	(tag) =	ssettag s2;
	_ =	strace s9  }
0x27: {  	s1 =	sld [smem:$0x3FAD]  }
0x28: {  	s2 =	sld [smem:$0x3FAE]  }
0x29: {  	s4 =	sld [smem:$0x3FB0]  }
0x2a: {  	p0 =	seq.s32 s5, $0x0;
	s5 =	sld [smem:$0x3FB1]  }
0x2b: {  	s6 =	sld [smem:$0x3FB2]  }
0x2c: {  	s7 =	sld [smem:$0x3FB3]  }
0x2d: {  	s3 =	simm.s32 $0x108;
	s8 =	sld [smem:$0x3FB4]  }
0x2e: {  	s3 =	simm.s32 @!p0 $0x1082;
	s9 =	sld [smem:$0x3FB5]  }
0x2f: {  	lr =	sadd.s32 s0, s3;
	s0 =	sld [smem:$0x3FAC]  }
0x30: {  	s3 =	sld [smem:$0x3FAF]  }
0x31: {  	[smem:$0x3FB8] =	sst s10  }
0x32: {  	s10 =	sld [smem:$0x3FB6];
	_ =	sdelay $0x3  }
0x33: {  	p0 =	seq.s32 s10, $0x1;
	s10 =	sld [smem:$0x3FB8];
	_ =	sdelay $0x3  }
0x34: {  	[smem:$0x3FB8] =	sst s10  }
0x35: {  	s10 =	sld [smem:$0x3FB7];
	_ =	sdelay $0x3  }
0x36: {  	p1 =	seq.s32 s10, $0x1;
	s10 =	sld [smem:$0x3FB8];
	_ =	sdelay $0x3  }
0x37: {  	[smem:$0x3FB8] =	sst s10  }
0x38: {  	s10 =	sld [smem:$0x3FB9]  }
0x39: {  	_ = 	snop;
	(pc) =	sbr.ind lr, $3  }
0x3a: {  	_ = 	snop  }
0x3b: {  	_ = 	snop  }
0x3c: {  	p2 =	seq.s32 s10, $0x1;
	s10 =	sld [smem:$0x3FB8]  }
0x3d: {  	_ =	shalt  }
0x3e: {  	_ =	shalt  }
0x3f: {  	_ =	shalt  }
0x40: {  	_ =	shalt  }
0x41: {  	_ =	shalt  }
0x42: {  	_ =	shalt  }
0x43: {  	_ =	shalt  }
0x44: {  	_ =	shalt  }
0x45: {  	_ =	shalt  }
0x46: {  	_ =	shalt  }
0x47: {  	_ =	shalt  }
0x48: {  	_ =	shalt  }
0x49: {  	_ =	shalt  }
0x4a: {  	_ =	shalt  }
0x4b: {  	_ =	shalt  }
0x4c: {  	_ =	shalt  }
0x4d: {  	_ =	shalt  }
0x4e: {  	_ =	shalt  }
0x4f: {  	_ =	shalt  }
0x50: {  	_ =	shalt  }
0x51: {  	_ =	shalt  }
0x52: {  	_ =	shalt  }
0x53: {  	_ =	shalt  }
0x54: {  	_ =	shalt  }
0x55: {  	_ =	shalt  }
0x56: {  	_ =	shalt  }
0x57: {  	_ =	shalt  }
0x58: {  	_ =	shalt  }
0x59: {  	_ =	shalt  }
0x5a: {  	_ =	shalt  }
0x5b: {  	_ =	shalt  }
0x5c: {  	_ =	shalt  }
0x5d: {  	_ =	shalt  }
0x5e: {  	_ =	shalt  }
0x5f: {  	_ =	shalt  }
0x60: {  	_ =	shalt  }
0x61: {  	_ =	shalt  }
0x62: {  	_ =	shalt  }
0x63: {  	_ =	shalt  }
0x64: {  	_ =	shalt  }
0x65: {  	_ =	shalt  }
0x66: {  	_ =	shalt  }
0x67: {  	_ =	shalt  }
0x68: {  	_ =	shalt  }
0x69: {  	_ =	shalt  }
0x6a: {  	_ =	shalt  }
0x6b: {  	_ =	shalt  }
0x6c: {  	_ =	shalt  }
0x6d: {  	_ =	shalt  }
0x6e: {  	_ =	shalt  }
0x6f: {  	_ =	shalt  }
0x70: {  	_ =	shalt  }
0x71: {  	_ =	shalt  }
0x72: {  	_ =	shalt  }
0x73: {  	_ =	shalt  }
0x74: {  	_ =	shalt  }
0x75: {  	_ =	shalt  }
0x76: {  	_ =	shalt  }
0x77: {  	_ =	shalt  }
0x78: {  	_ =	shalt  }
0x79: {  	_ =	shalt  }
0x7a: {  	_ =	shalt  }
0x7b: {  	_ =	shalt  }
0x7c: {  	_ =	shalt  }
0x7d: {  	_ =	shalt  }
0x7e: {  	_ =	shalt  }
0x7f: {  	_ =	shalt  }
0x80: {  	_ =	shalt  }
0x81: {  	_ =	shalt  }
0x82: {  	_ =	shalt  }
0x83: {  	_ =	shalt  }
0x84: {  	_ =	shalt  }
0x85: {  	_ =	shalt  }
0x86: {  	_ =	shalt  }
0x87: {  	_ =	shalt  }
.Lfunc_end0:
.L_simem_size_0:
called_computation_lowered:
.L_overlay_start_0:
0x88: {  	s2 =	sld [smem:$0x3FD9]  }
0x89: {  	s3 =	sld [smem:$0x3FFE];
	_ =	sdelay $0x1  }
0x8a: {  	s1 =	srdreg.scid  }
0x8b: {  	s0 =	sand.u32 $0x1, s1  }
0x8c: {  	s17 =	sshll.u32 s0, $0xA;
	s2 =	sadd.s32 s3, s2  }
0x8d: {  	s2 =	sadd.s32 s2, s17  }
0x8e: {  	[smem:$0x3FC4] =	sst s2  }
0x8f: {  	_ = 	snop  }
0x90: {  	s2 =	sld [smem:$0x3FC9]  }
0x91: {  	s18 =	sld [smem:$0x3FC8];
	(tm) =	ssettm $0x1  }
0x92: {  	s4 =	sld [smem:$0x3FFB];
	_ =	sdelay $0x3  }
0x93: {  	_ =	strace s4  }
0x94: {  	s4 =	sld [smem:$0x3FFC];
	_ =	sdelay $0x3  }
0x95: {  	_ =	strace s4  }
0x96: {  	s4 =	sld [smem:$0x3FFD];
	_ =	sdelay $0x3  }
0x97: {  	_ =	strace s4  }
0x98: {  	_ =	strace $0x8FFFFFFF  }
0x99: {  	s19 =	sld [smem:$0x3FDB];
	_ =	sdelay $0x1  }
0x9a: {  	s5 =	simm.s32 $_scs_section_size  }
0x9b: {  	s6 =	simm.s32 $_size__tile_overlayer_lowered;
	s7 =	simm.s32 $_tile_overlayer_lowered  }
0x9c: {  	s22 =	simm.s32 $0x1BFF;
	s21 =	sshll.u32 s7, $0x1;
	s4 =	sadd.s32 s5, s19  }
0x9d: {  	s8 =	simm.s32 $0x0;
	s20 =	sshll.u32 s6, $0x1;
	s6 =	sadd.s32 s21, s4  }
0x9e: {  	[timem:s8], [sflag:s22] =	dma.local [hbm:s6], s20  }
0x9f: {  	_ =	swait.ge [sflag:s22], s20  }
0xa0: {  	s5 =	ssub.s32 $0x0, s20;
	[sflag:s22] =	ssyncset.done $0x0  }
0xa1: {  	[sflag:s22] =	ssyncadd.s32 s5;
	_ =	sdelay $0x1  }
0xa2: {  	s23 =	simm.s32 $0x1B8B  }
0xa3: {  	_ =	swait.ge [sflag:s23], $0x1  }
0xa4: {  	[sflag:s23] =	ssyncset.done $0x0  }
0xa5: {  	s25 =	simm.s32 $0x1B8E;
	s24 =	sld [smem:$0x3FFE];
	[sflag:s23] =	ssyncadd.s32 $0xFFFFFFFF  }
0xa6: {  	s26 =	simm.s32 $execute0_lowered;
	[smem:$0x3FD2] =	sst s25  }
0xa7: {  	s6 =	sshll.u32 s26, $0x1;
	_ =	strace $0x80000046;
	[dreg:$0x1] =	wrdreg $0xFFFFFFFF  }
0xa8: {  	s28 =	simm.s32 $_size_execute0_lowered;
	s4 =	sadd.s32 s4, s6;
	[dreg:$0x0] =	wrdreg $0x0  }
0xa9: {  	s6 =	sshll.u32 s28, $0x1;
	[dreg:$0x2] =	wrdreg s4  }
0xaa: {  	[dreg:$0x3] =	wrdreg s6  }
0xab: {  	[dreg:$0x4] =	wrdreg $0xC0  }
0xac: {  	_ =	task [dreg:s8], $0x5FFFF  }
0xad: {  	[dreg:$0x1] =	wrdreg $0xFFFFFFFF  }
0xae: {  	[dreg:$0x0] =	wrdreg $0x60  }
0xaf: {  	[dreg:$0x2] =	wrdreg s2  }
0xb0: {  	[dreg:$0x3] =	wrdreg s18  }
0xb1: {  	[dreg:$0x4] =	wrdreg s24  }
0xb2: {  	[dreg:$0x5] =	wrdreg $0x9  }
0xb3: {  	_ =	task.clear_ibuf [dreg:s8], $0x6FFFF;
	_ =	strace $0x90000046  }
0xb4: {  	s29 =	simm.s32 $0x9;
	_ =	strace $0x80000048  }
0xb5: {  	_ =	swait.ge [sflag:s29], $0x1  }
0xb6: {  	[sflag:s29] =	ssyncadd.s32 $0xFFFFFFFF  }
0xb7: {  	_ =	strace $0x90000048  }
0xb8: {  	_ =	sfence  }
0xb9: {  	s30 =	sld [smem:$0x0];
	_ =	sdelay $0x2  }
0xba: {  	s31 =	sshll.u32 s1, $0xD;
	s1 =	sshrl.u32 s1, $0x2  }
0xbb: {  	s3 =	sand.u32 $0x4000, s31;
	s1 =	sadd.s32 s1, s30  }
0xbc: {  	s0 =	sor.u32 s3, s0;
	s1 =	sshll.u32 s1, $0x11  }
0xbd: {  	s0 =	sor.u32 s1, s0  }
0xbe: {  	s0 =	sadd.s32 $0x8F2B, s0  }
0xbf: {  	[sflag:s0] =	ssyncadd.remote.s32 $0x1  }
0xc0: {  	_ =	sfence.sel $0xFFFF  }
0xc1: {  	[dreg:$0x0] =	wrdreg $0xFFFFFFFF;
	(pc) =	sbr.abs _section_cstart, $3  }
0xc2: {  	[dreg:$0x1] =	wrdreg $0xFFFFFFFF  }
0xc3: {  	_ =	task.clear_ibuf [dreg:s8], $0x2FFFF;
	_ =	strace $0x9FFFFFFF  }
0xc4: {  	(tm) =	ssettm $0x7FFFFFFF  }
0xc5: {  	_ =	shalt  }
tec
execute0_lowered:
.L_overlay_start_1:
0x0: {  	(tag) =	ssettag $0x1  }
0x1: {  	s1 =	rddreg [dreg:$0x0]  }
0x2: {  	s0 =	srdreg.scid;
	s2 =	rddreg [dreg:$0x1]  }
0x3: {  	s24 =	stileid.u32;
	s5 =	rddreg [dreg:$0x2];
	s4 =	simm.s32 $0x0  }
0x4: {  	s15 =	simm.s32 $0x1;
	s16 =	simm.s32 $0x190;
	s17 =	simm.s32 $0x400  }
0x5: {  	s18 =	simm.s32 $0x3;
	s19 =	simm.s32 $0x2;
	s20 =	simm.s32 $0xCC00  }
0x6: {  	s21 =	simm.s32 $0x4;
	s22 =	simm.s32 $0x5;
	s13 =	smul.u32 $0x64, s24  }
0x7: {  	s23 =	simm.s32 $0x6;
	s0 =	sand.u32 $0x1, s0;
	s14 =	smul.u32 $0x3200, s24  }
0x8: {  	s3 =	sshll.u32 s24, $0x1;
	[smem:$0x7FF] =	sst s4;
	s26 =	smul.u32 $0x32, s0  }
0x9: {  	s3 =	sor.u32 s0, s3;
	s11 =	ssub.s32 $0x2, s0;
	s0 =	smul.u32 $0x1900, s0  }
0xa: {  	s5 =	sadd.s32 $0x600, s5;
	p0 =	sgt.u32 s24, $0xC;
	s6 =	smul.u32 $0x32, s3  }
0xb: {  	s24 =	simm.s32 $0x0;
	_ =	strace $0x80000047;
	s7 =	smul.u32 $0x190, s3  }
0xc: {  	s8 =	sor.u32 $0x40, s3;
	s9 =	sor.u32 $0x60, s3;
	s10 =	smul.u32 $0x1900, s3  }
0xd: {  	s25 =	sshrl.u32 s11, $0x1;
	s13 =	sadd.s32 s13, s2;
	s8 =	smul.u32 $0x32, s8  }
0xe: {  	s12 =	smul.u32 $0x32, s9;
	s9 =	ssub.s32 s11, s25;
	s31 =	sadd.s32 s26, s13  }
0xf: {  	s7 =	sshrl.u32 s7, $0x3;
	s6 =	sadd.s32 s2, s6;
	s29 =	smax.u32 s9, $0x1  }
0x10: {  	s9 =	sadd.s32 s5, s10;
	s5 =	sadd.s32 s14, s5;
	[dreg:$0x4] =	wrdreg s6  }
0x11: {  	s14 =	simm.s32 $0x200;
	s7 =	sadd.s32 s2, s7;
	[dreg:$0x6] =	wrdreg s29  }
0x12: {  	s30 =	sadd.s32 s2, s8;
	s10 =	sadd.s32 s2, s12;
	s0 =	sadd.s32 s0, s5  }
0x13: {  	s11 =	sadd.s32 $0x32000, s9;
	s28 =	sadd.s32 $0x640, s7;
	[dreg:$0x7] =	wrdreg s30  }
0x14: {  	s12 =	sadd.s32 $0x1F40, s31;
	s0 =	sadd.s32 $0x96000, s0;
	[dreg:$0x5] =	wrdreg s28  }
.LBB2_1:
0x15: {  	s2 =	rddreg [dreg:$0x4]  }
0x16: {  	[tilespmem:s4], [sflag:$0x1] =	stream.linear.gather [hbm4b:s2+s4], $0x190, $0x38;
	[tilespmem:$0x19400] =	vst v63  }
0x17: {  	s6 =	rddreg [dreg:$0x5]  }
0x18: {  	[tilespmem:s14], [sflag:$0x2] =	stream.linear.gather [hbm4b:s6+s4], $0x190, $0x38;
	[tilespmem:$0x19400] =	vst v63  }
0x19: {  	_ =	swait.ge [sflag:s15], $0x190  }
0x1a: {  	[sflag:s15] =	ssyncset.done $0x0  }
0x1b: {  	[sflag:s15] =	ssyncadd.s32 $0xFFFFFE70  }
0x1c: {  	[tilespmem:s17], [sflag:$0x3] =	stream.indirect.gather [hbm4b:s1+s16], $0x80, s4, s16, $0xb8;
	[tilespmem:$0x19400] =	vst v63  }
0x1d: {  	_ =	swait.ge [sflag:s18], $0xC800  }
0x1e: {  	[sflag:s18] =	ssyncset.done $0x0  }
0x1f: {  	[sflag:s18] =	ssyncadd.s32 $0xFFFF3800  }
0x20: {  	_ =	swait.ge [sflag:s19], $0x190  }
0x21: {  	[sflag:s19] =	ssyncset.done $0x0  }
0x22: {  	[sflag:s19] =	ssyncadd.s32 $0xFFFFFE70  }
0x23: {  	[tilespmem:s20], [sflag:$0x4] =	stream.indirect.gather [hbm4b:s1+s16], $0x80, s14, s16, $0xb8;
	[tilespmem:$0x19400] =	vst v63  }
0x24: {  	s7 =	rddreg [dreg:$0x7]  }
0x25: {  	[tilespmem:s4], [sflag:$0x1] =	stream.linear.gather [hbm4b:s7+s4], $0x190, $0x38;
	[tilespmem:$0x19400] =	vst v63  }
0x26: {  	_ = 	snop  }
0x27: {  	[hbm4b:s9+s4] =	stream.linear.scatter [tilespmem:s17], [sflag:$0x5], $0xC800, $0x38;
	[tilespmem:$0x19400] =	vst v63  }
0x28: {  	_ =	swait.ge [sflag:s21], $0xC800  }
0x29: {  	[sflag:s21] =	ssyncset.done $0x0  }
0x2a: {  	[sflag:s21] =	ssyncadd.s32 $0xFFFF3800  }
0x2b: {  	_ =	swait.ge [sflag:s15], $0x190  }
0x2c: {  	[sflag:s15] =	ssyncset.done $0x0  }
0x2d: {  	[sflag:s15] =	ssyncadd.s32 $0xFFFFFE70  }
0x2e: {  	[tilespmem:s17], [sflag:$0x3] =	stream.indirect.gather [hbm4b:s1+s16], $0x80, s4, s16, $0xb8;
	[tilespmem:$0x19400] =	vst v63  }
0x2f: {  	_ = 	snop  }
0x30: {  	[tilespmem:s14], [sflag:$0x2] =	stream.linear.gather [hbm4b:s10+s4], $0x190, $0x38;
	[tilespmem:$0x19400] =	vst v63  }
0x31: {  	s8 =	sadd.s32 $0x0, s3  }
0x32: {  	[hbm4b:s11+s4] =	stream.linear.scatter [tilespmem:s20], [sflag:$0x6], $0xC800, $0x38;
	[tilespmem:$0x19400] =	vst v63  }
0x33: {  	s5 =	sadd.s32 $0x60, s8;
	_ =	swait.ge [sflag:s18], $0xC800  }
0x34: {  	p1 =	sgt.u32 s5, $0xF9;
	[sflag:s18] =	ssyncset.done $0x0  }
0x35: {  	s5 =	simm.s32 @!p1 $0x2;
	[sflag:s18] =	ssyncadd.s32 $0xFFFF3800  }
0x36: {  	s13 =	sadd.s32 $0x80, s8;
	_ =	swait.ge @!p1 [sflag:s5], $0x190  }
0x37: {  	p2 =	sgt.u32 s13, $0xF9;
	s29 =	simm.s32 @!p1 $0xCC00;
	[sflag:s5] =	ssyncset.done @!p1 $0x0  }
0x38: {  	s13 =	simm.s32 @!p1 $0x200;
	[sflag:s5] =	ssyncadd.s32 @!p1 $0xFFFFFE70;
	s5 =	simm.s32 @!p1 $0x190  }
0x39: {  	[tilespmem:s29], [sflag:$0x4] =	stream.indirect.gather @!p1 [hbm4b:s1+s5], $0x80, s13, s5, $0xb8;
	[tilespmem:$0x19400] =	vst v63  }
0x3a: {  	s5 =	sadd.s32 @!p2 $0xFFFFF9C0, s12;
	s13 =	simm.s32 @!p2 $0x0  }
0x3b: {  	[tilespmem:s13], [sflag:$0x1] =	stream.linear.gather @!p2 [hbm4b:s5+s13], $0x190, $0x38;
	[tilespmem:$0x19400] =	vst v63  }
0x3c: {  	_ =	swait.ge [sflag:s22], $0xC800  }
0x3d: {  	[sflag:s22] =	ssyncset.done $0x0  }
0x3e: {  	s26 =	sadd.s32 $0xFFFCE000, s0;
	s25 =	simm.s32 @!p1 $0x4;
	[sflag:s22] =	ssyncadd.s32 $0xFFFF3800  }
0x3f: {  	[hbm4b:s26+s4] =	stream.linear.scatter [tilespmem:s17], [sflag:$0x5], $0xC800, $0x38;
	[tilespmem:$0x19400] =	vst v63  }
0x40: {  	_ =	swait.ge @!p1 [sflag:s25], $0xC800  }
0x41: {  	[sflag:s25] =	ssyncset.done @!p1 $0x0  }
0x42: {  	s5 =	simm.s32 @!p2 $0x1;
	[sflag:s25] =	ssyncadd.s32 @!p1 $0xFFFF3800  }
0x43: {  	s2 =	sadd.s32 $0xA0, s8;
	_ =	swait.ge @!p2 [sflag:s5], $0x190  }
0x44: {  	s30 =	sadd.s32 $0x40, s3;
	p3 =	sgt.u32 s2, $0xF9;
	[sflag:s5] =	ssyncset.done @!p2 $0x0  }
0x45: {  	s2 =	simm.s32 @!p2 $0x190;
	[sflag:s5] =	ssyncadd.s32 @!p2 $0xFFFFFE70;
	s5 =	simm.s32 @!p2 $0x400  }
0x46: {  	[tilespmem:s5], [sflag:$0x3] =	stream.indirect.gather @!p2 [hbm4b:s1+s2], $0x80, s13, s2, $0xb8;
	[tilespmem:$0x19400] =	vst v63  }
0x47: {  	s31 =	sadd.s32 $0x80, s30;
	s2 =	simm.s32 @!p3 $0x0;
	s5 =	simm.s32 @!p3 $0x200  }
0x48: {  	[tilespmem:s5], [sflag:$0x2] =	stream.linear.gather @!p3 [hbm4b:s12+s2], $0x190, $0x38;
	[tilespmem:$0x19400] =	vst v63  }
0x49: {  	s28 =	sadd.s32 $0xA0, s30;
	s26 =	sadd.s32 $0xC80, s12;
	_ =	swait.ge [sflag:s23], $0xC800  }
0x4a: {  	s25 =	sadd.s32 $0x64000, s0;
	s13 =	smov.u32 s0;
	[sflag:s23] =	ssyncset.done $0x0  }
0x4b: {  	s2 =	simm.s32 $0x80;
	s5 =	simm.s32 @!p1 $0x0;
	[sflag:s23] =	ssyncadd.s32 $0xFFFF3800  }
.LBB2_2:
0x4c: {  	[hbm4b:s13+s5] =	stream.linear.scatter @!p1 [tilespmem:s29], [sflag:$0x6], $0xC800, $0x38;
	[tilespmem:$0x19400] =	vst v63  }
0x4d: {  	s5 =	sadd.s32 $0x60, s30;
	s30 =	sadd.s32 s2, s3;
	_ =	swait.ge [sflag:s18], $0xC800  }
0x4e: {  	s13 =	sadd.s32 $0x80, s30;
	p1 =	sgt.u32 s5, $0xF9;
	[sflag:s18] =	ssyncset.done $0x0  }
0x4f: {  	s2 =	sadd.s32 $0x40, s2;
	s5 =	simm.s32 @!p1 $0x2;
	[sflag:s18] =	ssyncadd.s32 $0xFFFF3800  }
0x50: {  	s6 =	sadd.s32 $0xA0, s30;
	p2 =	sne.s32 s2, $0xC0;
	_ =	swait.ge @!p1 [sflag:s5], $0x190  }
0x51: {  	p3 =	sgt.u32 s31, $0xF9;
	s29 =	simm.s32 @!p1 $0xCC00;
	[sflag:s5] =	ssyncset.done @!p1 $0x0  }
0x52: {  	s31 =	simm.s32 @!p1 $0x200;
	[sflag:s5] =	ssyncadd.s32 @!p1 $0xFFFFFE70;
	s5 =	simm.s32 @!p1 $0x190  }
0x53: {  	[tilespmem:s29], [sflag:$0x4] =	stream.indirect.gather @!p1 [hbm4b:s1+s5], $0x80, s31, s5, $0xb8;
	[tilespmem:$0x19400] =	vst v63  }
0x54: {  	s7 =	simm.s32 @!p3 $0x0;
	s5 =	sadd.s32 @!p3 $0xFFFFF9C0, s26;
	s31 =	smov.u32 s13  }
0x55: {  	[tilespmem:s7], [sflag:$0x1] =	stream.linear.gather @!p3 [hbm4b:s5+s7], $0x190, $0x38;
	[tilespmem:$0x19400] =	vst v63  }
0x56: {  	s13 =	smov.u32 s25;
	_ =	swait.ge [sflag:s22], $0xC800  }
0x57: {  	[sflag:s22] =	ssyncset.done $0x0  }
0x58: {  	s8 =	simm.s32 @!p1 $0x4;
	s5 =	sadd.s32 $0xFFFCE000, s25;
	[sflag:s22] =	ssyncadd.s32 $0xFFFF3800  }
0x59: {  	[hbm4b:s5+s4] =	stream.linear.scatter [tilespmem:s17], [sflag:$0x5], $0xC800, $0x38;
	[tilespmem:$0x19400] =	vst v63  }
0x5a: {  	_ =	swait.ge @!p1 [sflag:s8], $0xC800  }
0x5b: {  	[sflag:s8] =	ssyncset.done @!p1 $0x0  }
0x5c: {  	s5 =	simm.s32 @!p3 $0x1;
	[sflag:s8] =	ssyncadd.s32 @!p1 $0xFFFF3800  }
0x5d: {  	_ =	swait.ge @!p3 [sflag:s5], $0x190  }
0x5e: {  	p4 =	sgt.u32 s28, $0xF9;
	s28 =	smov.u32 s6;
	[sflag:s5] =	ssyncset.done @!p3 $0x0  }
0x5f: {  	s6 =	simm.s32 @!p3 $0x400;
	[sflag:s5] =	ssyncadd.s32 @!p3 $0xFFFFFE70;
	s5 =	simm.s32 @!p3 $0x190  }
0x60: {  	[tilespmem:s6], [sflag:$0x3] =	stream.indirect.gather @!p3 [hbm4b:s1+s5], $0x80, s7, s5, $0xb8;
	[tilespmem:$0x19400] =	vst v63  }
.Ltmp0:
0x61: {  	s5 =	simm.s32 @!p4 $0x0;
	s6 =	simm.s32 @!p4 $0x200;
	(pc) =	sbr.rel @p2 .LBB2_2-.Ltmp0, $4  }
0x62: {  	[tilespmem:s6], [sflag:$0x2] =	stream.linear.gather @!p4 [hbm4b:s26+s5], $0x190, $0x38;
	[tilespmem:$0x19400] =	vst v63  }
0x63: {  	_ =	swait.ge [sflag:s23], $0xC800  }
0x64: {  	s25 =	sadd.s32 $0x64000, s25;
	[sflag:s23] =	ssyncset.done $0x0  }
0x65: {  	s5 =	simm.s32 @!p1 $0x0;
	s26 =	sadd.s32 $0xC80, s26;
	[sflag:s23] =	ssyncadd.s32 $0xFFFF3800  }
0x66: {  	[hbm4b:s13+s5] =	stream.linear.scatter @!p1 [tilespmem:s29], [sflag:$0x6], $0xC800, $0x38;
	[tilespmem:$0x19400] =	vst v63  }
0x67: {  	s2 =	sadd.s32 $0x60, s30;
	_ =	swait.ge [sflag:s18], $0xC800  }
0x68: {  	p1 =	sgt.u32 s2, $0xF9;
	[sflag:s18] =	ssyncset.done $0x0  }
0x69: {  	s2 =	simm.s32 @!p1 $0x2;
	[sflag:s18] =	ssyncadd.s32 $0xFFFF3800  }
0x6a: {  	_ =	swait.ge @!p1 [sflag:s2], $0x190  }
0x6b: {  	p2 =	sgt.u32 s31, $0xF9;
	s5 =	simm.s32 @!p1 $0xCC00;
	[sflag:s2] =	ssyncset.done @!p1 $0x0  }
0x6c: {  	s6 =	simm.s32 @!p1 $0x200;
	[sflag:s2] =	ssyncadd.s32 @!p1 $0xFFFFFE70;
	s2 =	simm.s32 @!p1 $0x190  }
0x6d: {  	[tilespmem:s5], [sflag:$0x4] =	stream.indirect.gather @!p1 [hbm4b:s1+s2], $0x80, s6, s2, $0xb8;
	[tilespmem:$0x19400] =	vst v63  }
0x6e: {  	s2 =	sadd.s32 @!p2 $0xFFFFF9C0, s26;
	s6 =	simm.s32 @!p2 $0x0  }
0x6f: {  	[tilespmem:s6], [sflag:$0x1] =	stream.linear.gather @!p2 [hbm4b:s2+s6], $0x190, $0x38;
	[tilespmem:$0x19400] =	vst v63  }
0x70: {  	_ =	swait.ge [sflag:s22], $0xC800  }
0x71: {  	[sflag:s22] =	ssyncset.done $0x0  }
0x72: {  	s30 =	sadd.s32 $0xFFFCE000, s25;
	s7 =	simm.s32 @!p1 $0x4;
	[sflag:s22] =	ssyncadd.s32 $0xFFFF3800  }
0x73: {  	[hbm4b:s30+s4] =	stream.linear.scatter [tilespmem:s17], [sflag:$0x5], $0xC800, $0x38;
	[tilespmem:$0x19400] =	vst v63  }
0x74: {  	_ =	swait.ge @!p1 [sflag:s7], $0xC800  }
0x75: {  	[sflag:s7] =	ssyncset.done @!p1 $0x0  }
0x76: {  	s2 =	simm.s32 @!p2 $0x1;
	[sflag:s7] =	ssyncadd.s32 @!p1 $0xFFFF3800  }
0x77: {  	_ =	swait.ge @!p2 [sflag:s2], $0x190  }
0x78: {  	p3 =	sgt.u32 s28, $0xF9;
	[sflag:s2] =	ssyncset.done @!p2 $0x0  }
0x79: {  	s7 =	simm.s32 @!p2 $0x400;
	[sflag:s2] =	ssyncadd.s32 @!p2 $0xFFFFFE70;
	s2 =	simm.s32 @!p2 $0x190  }
0x7a: {  	[tilespmem:s7], [sflag:$0x3] =	stream.indirect.gather @!p2 [hbm4b:s1+s2], $0x80, s6, s2, $0xb8;
	[tilespmem:$0x19400] =	vst v63  }
0x7b: {  	s2 =	simm.s32 @!p3 $0x0;
	s6 =	simm.s32 @!p3 $0x200  }
0x7c: {  	[tilespmem:s6], [sflag:$0x2] =	stream.linear.gather @!p3 [hbm4b:s26+s2], $0x190, $0x38;
	[tilespmem:$0x19400] =	vst v63  }
0x7d: {  	_ =	swait.ge [sflag:s23], $0xC800  }
0x7e: {  	[sflag:s23] =	ssyncset.done $0x0  }
0x7f: {  	s2 =	simm.s32 @!p1 $0x0;
	[sflag:s23] =	ssyncadd.s32 $0xFFFF3800  }
0x80: {  	[hbm4b:s25+s2] =	stream.linear.scatter @!p1 [tilespmem:s5], [sflag:$0x6], $0xC800, $0x38;
	[tilespmem:$0x19400] =	vst v63  }
0x81: {  	_ =	swait.ge [sflag:s22], $0xC800  }
0x82: {  	[sflag:s22] =	ssyncset.done $0x0  }
0x83: {  	s2 =	simm.s32 @!p0 $0x6;
	[sflag:s22] =	ssyncadd.s32 $0xFFFF3800  }
0x84: {  	_ =	swait.ge @!p0 [sflag:s2], $0xC800  }
0x85: {  	s24 =	sadd.s32 $0x1, s24;
	s31 =	rddreg [dreg:$0x6]  }
0x86: {  	p1 =	sne.s32 s24, s31  }
.Ltmp1:
0x87: {  	_ = 	snop;
	(pc) =	sbr.rel @p1 .LBB2_1-.Ltmp1, $3  }
0x88: {  	_ =	sdelay $0x1  }
0x89: {  	[sflag:s2] =	ssyncset.done @!p0 $0x0  }
0x8a: {  	[sflag:s2] =	ssyncadd.s32 @!p0 $0xFFFF3800  }
0x8b: {  	_ =	sfence.sel $0x180000  }
0x8c: {  	[bflag:$0x0] =	sbarrier.arrive $0xFFFF  }
0x8d: {  	_ =	strace $0x90000047  }
0x8e: {  	s0 =	stileid.u32;
	[bflag:$0x2] =	sbarrier.arrive $0xFFFF  }
0x8f: {  	p0 =	sne.s32 s0, $0x0;
	s0 =	rddreg [dreg:$0x3]  }
0x90: {  	s0 =	sadd.s32 @!p0 $0x100000, s0  }
0x91: {  	[sflag:s0] =	ssyncadd.tile.s32 @!p0 $0x1;
	_ =	shalt  }
.Lfunc_end2:
_tile_overlayer_lowered:
.L_overlay_start_2:
0x92: {  	(tag) =	ssettag $0x2  }
0x93: {  	s0 =	rddreg [dreg:$0x0];
	s2 =	stileid.u32  }
0x94: {  	s1 =	rddreg [dreg:$0x1];
	p0 =	sne.s32 s2, $0x0  }
0x95: {  	s3 =	rddreg [dreg:$0x2];
	[bflag:$0x3] =	sbarrier.arrive $0xFFFF;
	s2 =	simm.s32 @!p0 $0x1C07  }
0x96: {  	[timem:s3], [sflag:s2] =	dma.local @!p0 [hbm:s0], s1  }
0x97: {  	s0 =	simm.s32 @!p0 $0x7  }
0x98: {  	_ =	swait.ge @!p0 [sflag:s0], s1  }
0x99: {  	s1 =	ssub.s32 @!p0 $0x0, s1;
	[sflag:s0] =	ssyncset.done @!p0 $0x0  }
0x9a: {  	[sflag:s0] =	ssyncadd.s32 @!p0 s1  }
0x9b: {  	[bflag:$0x3] =	sbarrier.arrive $0xFFFF  }
0x9c: {  	_ =	shalt  }

</sc_bundles>
